<compile_context>
chip_gen: v7x
topology: tpu7x:2x2x1
jax: 0.10.2.dev20260603
libtpu: 0.0.44.dev20260713+nightly
codegen_flags: <defaults>
</compile_context>

<pallas_src>
import math

import jax
import jax.numpy as jnp
from jax import lax
from jax.experimental import pallas as pl
from jax.experimental.pallas import tpu as pltpu
from jax.experimental.pallas import tpu_sc as plsc

DIM = 256
N_EMBED = 8192
NTOK = 9216
ENTROPY_PENALTY = 0.1
BETA = 0.25
EPS = 1e-05
LOG_N = math.log(float(N_EMBED))

TM = 1152
KT = 2048
NK = N_EMBED // KT

SC_NC = 2
SC_NS = 16
SC_NW = SC_NC * SC_NS
SC_BPW = NTOK // SC_NW
HIST_PAD = N_EMBED + 16


def _codebook_body(emb_ref, w_ref, b_ref, out_ref, out2_ref):
    mm = lax.dot_general(emb_ref[...], w_ref[...], (((1,), (1,)), ((), ())),
                         preferred_element_type=jnp.float32)
    cb = mm + b_ref[...]
    out_ref[...] = cb
    out2_ref[...] = cb + cb


def _codebook_call(emb, w, b2d, *, interpret=False):
    return pl.pallas_call(
        _codebook_body,
        grid=(N_EMBED // 512,),
        in_specs=[pl.BlockSpec((512, DIM), lambda i: (i, 0)),
                  pl.BlockSpec((DIM, DIM), lambda i: (0, 0)),
                  pl.BlockSpec((1, DIM), lambda i: (0, 0))],
        out_specs=[pl.BlockSpec((512, DIM), lambda i: (i, 0)),
                   pl.BlockSpec((512, DIM), lambda i: (i, 0))],
        out_shape=[jax.ShapeDtypeStruct((N_EMBED, DIM), jnp.float32),
                   jax.ShapeDtypeStruct((N_EMBED, DIM), jnp.float32)],
        interpret=interpret,
    )(emb, w, b2d)


def _main_body(x_ref, cb_ref, s_ref, c2_ref, idx_ref, ent_ref, mse_ref):
    i = pl.program_id(0)
    x = x_ref[...]
    s = s_ref[...]

    iot = lax.broadcasted_iota(jnp.int32, (TM, KT), 1).astype(jnp.float32)

    def kstep(k, carry):
        m_run, z_run, t_run, bidx = carry
        cbk = cb_ref[pl.ds(k * KT, KT), :]
        c2k = c2_ref[:, pl.ds(k * KT, KT)]
        mm2 = lax.dot_general(x, cbk, (((1,), (1,)), ((), ())),
                              preferred_element_type=jnp.float32)
        l = mm2 - (s + c2k)
        tmax = jnp.max(l, axis=1, keepdims=True)
        masked = jnp.where(l == tmax, iot, jnp.float32(1e9))
        tidx = (jnp.min(masked, axis=1, keepdims=True)
                .astype(jnp.int32) + k * KT)
        m_new = jnp.maximum(m_run, tmax)
        alpha = jnp.exp(m_run - m_new)
        delta = m_new - m_run
        u = l - m_new
        e = jnp.exp(u)
        ew = e * u
        zt = jnp.sum(e, axis=1, keepdims=True)
        tt = jnp.sum(ew, axis=1, keepdims=True)
        z_new = z_run * alpha + zt
        t_new = (t_run - delta * z_run) * alpha + tt
        bidx = jnp.where(tmax > m_run, tidx, bidx)
        return (m_new, z_new, t_new, bidx)

    init = (jnp.full((TM, 1), jnp.finfo(jnp.float32).min, jnp.float32),
            jnp.zeros((TM, 1), jnp.float32),
            jnp.zeros((TM, 1), jnp.float32),
            jnp.zeros((TM, 1), jnp.int32))
    m_run, z_run, t_run, bidx = lax.fori_loop(0, NK, kstep, init)

    h = jnp.log(z_run) - t_run / z_run
    idx_ref[...] = bidx
    ent_s = jnp.sum(h).reshape(1, 1)
    mse_s = (-jnp.sum(m_run)).reshape(1, 1)

    @pl.when(i == 0)
    def _():
        ent_ref[...] = ent_s
        mse_ref[...] = mse_s

    @pl.when(i > 0)
    def _():
        ent_ref[...] += ent_s
        mse_ref[...] += mse_s


def _main_call(flatten, codebook2, s, c2row, *, interpret=False):
    return pl.pallas_call(
        _main_body,
        grid=(NTOK // TM,),
        in_specs=[pl.BlockSpec((TM, DIM), lambda i: (i, 0)),
                  pl.BlockSpec((N_EMBED, DIM), lambda i: (0, 0)),
                  pl.BlockSpec((TM, 1), lambda i: (i, 0)),
                  pl.BlockSpec((1, N_EMBED), lambda i: (0, 0))],
        out_specs=[pl.BlockSpec((TM, 1), lambda i: (i, 0)),
                   pl.BlockSpec((1, 1), lambda i: (0, 0)),
                   pl.BlockSpec((1, 1), lambda i: (0, 0))],
        out_shape=[jax.ShapeDtypeStruct((NTOK, 1), jnp.int32),
                   jax.ShapeDtypeStruct((1, 1), jnp.float32),
                   jax.ShapeDtypeStruct((1, 1), jnp.float32)],
        interpret=interpret,
    )(flatten, codebook2, s, c2row)


def _sc_body(cb_hbm, idx_hbm, zq_hbm, idx_v, rows_v, sem):
    wid = lax.axis_index("s") * SC_NC + lax.axis_index("c")
    base = wid * SC_BPW
    pltpu.sync_copy(idx_hbm.at[pl.ds(base, SC_BPW)], idx_v)
    pltpu.async_copy(cb_hbm.at[idx_v], rows_v, sem).wait()
    pltpu.sync_copy(rows_v, zq_hbm.at[pl.ds(base, SC_BPW)])


def _sc_call(codebook, indices):
    mesh = plsc.VectorSubcoreMesh(core_axis_name="c", subcore_axis_name="s")
    fn = pl.kernel(
        _sc_body,
        out_type=[jax.ShapeDtypeStruct((NTOK, DIM), jnp.float32)],
        mesh=mesh,
        scratch_types=[pltpu.VMEM((SC_BPW,), jnp.int32),
                       pltpu.VMEM((SC_BPW, DIM), jnp.float32),
                       pltpu.SemaphoreType.DMA],
    )
    return fn(codebook, indices)


def _final_body(ent_ref, mse_ref, idx_ref, out_ref):
    iot_hi = lax.broadcasted_iota(jnp.int32, (TM, 64), 1)
    iot_lo = lax.broadcasted_iota(jnp.int32, (TM, 128), 1)

    def hstep(t, acc):
        idxc = idx_ref[pl.ds(t * TM, TM), :]
        oh_hi = (iot_hi == (idxc >> 7)).astype(jnp.bfloat16)
        oh_lo = (iot_lo == (idxc & 127)).astype(jnp.bfloat16)
        return acc + lax.dot_general(oh_hi, oh_lo, (((0,), (0,)), ((), ())),
                                     preferred_element_type=jnp.float32)

    hist = lax.fori_loop(0, NTOK // TM, hstep,
                         jnp.zeros((64, 128), jnp.float32))
    avg = hist / float(NTOK) + EPS
    tue = (-jnp.sum(avg * jnp.log(avg))).reshape(1, 1)
    soft_entropy = ent_ref[...] / float(NTOK)
    sel = ENTROPY_PENALTY * (1.0 - soft_entropy / LOG_N)
    dl = mse_ref[...] / float(NTOK * DIM)
    vq = dl + BETA * dl
    tel = ENTROPY_PENALTY * (1.0 - tue / jnp.log(jnp.float32(N_EMBED)))
    out_ref[...] = vq + sel + tel


def _final_call(ent, mse, idx2, *, interpret=False):
    return pl.pallas_call(
        _final_body,
        in_specs=[pl.BlockSpec((1, 1), lambda: (0, 0)),
                  pl.BlockSpec((1, 1), lambda: (0, 0)),
                  pl.BlockSpec((NTOK, 1), lambda: (0, 0))],
        out_specs=pl.BlockSpec((1, 1), lambda: (0, 0)),
        out_shape=jax.ShapeDtypeStruct((1, 1), jnp.float32),
        interpret=interpret,
    )(ent, mse, idx2)


def kernel(input, emb_weight, proj_W, proj_b):
    Bs, Ts, C = input.shape
    flatten = input.reshape(-1, C)
    codebook, codebook2 = _codebook_call(emb_weight, proj_W, proj_b.reshape(1, C))
    s = jnp.sum(flatten ** 2, axis=1, keepdims=True)
    c2 = jnp.sum(codebook ** 2, axis=1)
    idx2, ent, mse = _main_call(flatten, codebook2, s, c2.reshape(1, N_EMBED))
    indices = idx2.reshape(NTOK)
    (z_q,) = _sc_call(codebook, indices)
    total = _final_call(ent, mse, idx2)[0, 0]
    return (z_q.reshape(Bs, Ts, C), total, indices)

# --- scband reference (transcript-rebuilt; emitter-appended) ---
"""Pipeline reference for scband-quantize-65859028517405 (READ-ONLY COPY).

The authoritative reference and input builder live on the scoring server;
editing this copy changes nothing except your own understanding.
"""

import jax, jax.numpy as jnp
import numpy as np

DIM = 256
N_EMBED = 8192
B, T = 16, 576
ENTROPY_PENALTY = 0.1
ENTROPY_TEMP = 1.0
BETA = 0.25
EPS = 1e-05


def setup_inputs(seed: int = 0) -> dict:
    key = jax.random.key(seed)
    k1, k2, k3 = jax.random.split(key, 3)
    inp = jax.random.normal(k1, (B, T, DIM), dtype=jnp.float32)
    # nn.Embedding weight initialized normal(0, dim**-0.5)
    emb_weight = jax.random.normal(k2, (N_EMBED, DIM), dtype=jnp.float32) * (DIM ** -0.5)
    # nn.Linear(dim, dim): W [out, in], b [out]
    bound = 1.0 / np.sqrt(DIM)
    proj_W = jax.random.uniform(k3, (DIM, DIM), dtype=jnp.float32, minval=-bound, maxval=bound)
    proj_b = jnp.zeros((DIM,), dtype=jnp.float32)
    return {"input": inp, "emb_weight": emb_weight, "proj_W": proj_W, "proj_b": proj_b}


def reference(input, emb_weight, proj_W, proj_b):
    Bs, Ts, C = input.shape
    flatten = input.reshape(-1, C)
    # codebook = embedding_proj(embedding.weight)
    codebook = emb_weight @ proj_W.T + proj_b
    d = (jnp.sum(flatten ** 2, axis=1, keepdims=True)
         + jnp.sum(codebook ** 2, axis=1)
         - 2.0 * jnp.matmul(flatten, codebook.T))
    logits = -d / ENTROPY_TEMP
    probs = jax.nn.softmax(logits, axis=-1)
    soft_entropy = jnp.mean(-jnp.sum(probs * jnp.log(probs + EPS), axis=-1))
    max_entropy = np.log(N_EMBED)
    norm_soft_entropy = soft_entropy / max_entropy
    soft_entropy_loss = ENTROPY_PENALTY * (1.0 - norm_soft_entropy)
    indices = jnp.argmax(probs, axis=-1)
    z_q = jnp.take(codebook, indices, axis=0).reshape(Bs, Ts, C)
    diff_loss = jnp.mean((jax.lax.stop_gradient(z_q) - input) ** 2)
    commit_loss = jnp.mean((z_q - jax.lax.stop_gradient(input)) ** 2)
    vq_loss = diff_loss + BETA * commit_loss
    # torch.no_grad() block -> stop_gradient
    one_hot = jax.nn.one_hot(indices, N_EMBED, dtype=jnp.float32)
    avg_probs = jnp.mean(one_hot, axis=0) + EPS
    token_usage_entropy = -jnp.sum(avg_probs * jnp.log(avg_probs))
    token_usage_max = jnp.log(jnp.asarray(N_EMBED, dtype=token_usage_entropy.dtype))
    token_entropy_loss = jax.lax.stop_gradient(
        ENTROPY_PENALTY * (1.0 - token_usage_entropy / token_usage_max))
    total_loss = vq_loss + soft_entropy_loss + token_entropy_loss
    z_q_st = input + jax.lax.stop_gradient(z_q - input)
    return (z_q_st, total_loss, indices)

if __name__ == "__main__":
    import jax
    _d = setup_inputs()
    print(jax.jit(kernel)(*tuple(_d.values())))

</pallas_src>

<mosaic_0001>
#map = affine_map<(d0, d1) -> (0, 0)>
#map1 = affine_map<(d0, d1) -> (0)>
module attributes {stable_mosaic.version = 14 : i64} {
  func.func @_sc_body(%arg0: i32, %arg1: i32, %arg2: memref<8192x256xf32, #tpu.memory_space<hbm>>, %arg3: memref<9216xi32, #tpu.memory_space<hbm>>, %arg4: memref<9216x256xf32, #tpu.memory_space<hbm>>, %arg5: memref<288xi32, #tpu.memory_space<vmem>>, %arg6: memref<288x256xf32, #tpu.memory_space<vmem>>, %arg7: memref<!tpu.dma_semaphore, #tpu.memory_space<semaphore_mem>>) attributes {dimension_semantics = [#tpu.dimension_semantics<core_parallel>, #tpu.dimension_semantics<subcore_parallel>], iteration_bounds = array<i64: 2, 16>, scalar_prefetch = 0 : i64, scratch_operands = 3 : i64, tpu.core_type = #tpu.core_type<sc_vector_subcore>, window_params = [{transform_indices = #map}, {transform_indices = #map1}, {transform_indices = #map}]} {
    %mul3A = arith.constant 2 : i32
    %mul3A_0 = arith.muli %arg1, %mul3A : i32
    %add3A = arith.addi %mul3A_0, %arg0 : i32
    %mul3A_1 = arith.constant 288 : i32
    %mul3A_2 = arith.muli %add3A, %mul3A_1 : i32
    "tpu.region"() ({
      %run_scoped3A = tpu.sem_alloc : memref<!tpu.dma_semaphore, #tpu.memory_space<semaphore_mem>>
      %dma_start3A_7 = tpu.memref_slice %arg3[%mul3A_2] : memref<9216xi32, #tpu.memory_space<hbm>> -> memref<288xi32, #tpu.memory_space<hbm>>
      %dma_start3A_8 = tpu.memref_slice %arg3[%mul3A_2] : memref<9216xi32, #tpu.memory_space<hbm>> -> memref<288xi32, #tpu.memory_space<hbm>>
      tpu.enqueue_dma source(%dma_start3A_8 : memref<288xi32, #tpu.memory_space<hbm>>) target(%arg5 : memref<288xi32, #tpu.memory_space<vmem>>) target_semaphore(%run_scoped3A : memref<!tpu.dma_semaphore, #tpu.memory_space<semaphore_mem>>)
      %dma_wait3A_9 = tpu.memref_slice %arg3[%mul3A_2] : memref<9216xi32, #tpu.memory_space<hbm>> -> memref<288xi32, #tpu.memory_space<hbm>>
      %dma_wait3A_10 = tpu.memref_slice %arg3[%mul3A_2] : memref<9216xi32, #tpu.memory_space<hbm>> -> memref<288xi32, #tpu.memory_space<hbm>>
      tpu.wait_dma2 semaphore(%run_scoped3A : memref<!tpu.dma_semaphore, #tpu.memory_space<semaphore_mem>>) src(%dma_wait3A_10 : memref<288xi32, #tpu.memory_space<hbm>>) dst(%arg5 : memref<288xi32, #tpu.memory_space<vmem>>)
      tpu.yield
    }) : () -> ()
    %dma_start3A = arith.constant 0 : i32
    %dma_start3A_3 = arith.constant 0 : i32
    %dma_start3A_4 = tpu.memref_slice %arg2[%dma_start3A, %dma_start3A_3] : memref<8192x256xf32, #tpu.memory_space<hbm>> -> memref<8192x256xf32, #tpu.memory_space<hbm>>
    tpu.enqueue_indirect_dma source(%dma_start3A_4 : memref<8192x256xf32, #tpu.memory_space<hbm>>) target(%arg6 : memref<288x256xf32, #tpu.memory_space<vmem>>) offsets(%arg5 : memref<288xi32, #tpu.memory_space<vmem>>) semaphore(%arg7 : memref<!tpu.dma_semaphore, #tpu.memory_space<semaphore_mem>>)
    %dma_wait3A = arith.constant 0 : i32
    %dma_wait3A_5 = arith.constant 0 : i32
    %dma_wait3A_6 = tpu.memref_slice %arg2[%dma_wait3A, %dma_wait3A_5] : memref<8192x256xf32, #tpu.memory_space<hbm>> -> memref<8192x256xf32, #tpu.memory_space<hbm>>
    tpu.wait_indirect_dma semaphore(%arg7 : memref<!tpu.dma_semaphore, #tpu.memory_space<semaphore_mem>>) src(%dma_wait3A_6 : memref<8192x256xf32, #tpu.memory_space<hbm>>) dst(%arg6 : memref<288x256xf32, #tpu.memory_space<vmem>>)
    "tpu.region"() ({
      %run_scoped3A = tpu.sem_alloc : memref<!tpu.dma_semaphore, #tpu.memory_space<semaphore_mem>>
      %dma_start3A_7 = arith.constant 0 : i32
      %dma_start3A_8 = tpu.memref_slice %arg4[%mul3A_2, %dma_start3A_7] : memref<9216x256xf32, #tpu.memory_space<hbm>> -> memref<288x256xf32, #tpu.memory_space<hbm>>
      %dma_start3A_9 = arith.constant 0 : i32
      %dma_start3A_10 = tpu.memref_slice %arg4[%mul3A_2, %dma_start3A_9] : memref<9216x256xf32, #tpu.memory_space<hbm>> -> memref<288x256xf32, #tpu.memory_space<hbm>>
      tpu.enqueue_dma source(%arg6 : memref<288x256xf32, #tpu.memory_space<vmem>>) target(%dma_start3A_10 : memref<288x256xf32, #tpu.memory_space<hbm>>) target_semaphore(%run_scoped3A : memref<!tpu.dma_semaphore, #tpu.memory_space<semaphore_mem>>)
      %dma_wait3A_11 = arith.constant 0 : i32
      %dma_wait3A_12 = tpu.memref_slice %arg4[%mul3A_2, %dma_wait3A_11] : memref<9216x256xf32, #tpu.memory_space<hbm>> -> memref<288x256xf32, #tpu.memory_space<hbm>>
      %dma_wait3A_13 = arith.constant 0 : i32
      %dma_wait3A_14 = tpu.memref_slice %arg4[%mul3A_2, %dma_wait3A_13] : memref<9216x256xf32, #tpu.memory_space<hbm>> -> memref<288x256xf32, #tpu.memory_space<hbm>>
      tpu.wait_dma2 semaphore(%run_scoped3A : memref<!tpu.dma_semaphore, #tpu.memory_space<semaphore_mem>>) src(%arg6 : memref<288x256xf32, #tpu.memory_space<vmem>>) dst(%dma_wait3A_14 : memref<288x256xf32, #tpu.memory_space<hbm>>)
      tpu.yield
    }) : () -> ()
    return
  }
}

module attributes {stable_mosaic.version = 14 : i64} {
  func.func @_codebook_body(%arg0: i32, %arg1: memref<512x256xf32, #tpu.memory_space<vmem>>, %arg2: memref<256x256xf32, #tpu.memory_space<vmem>>, %arg3: memref<1x256xf32, #tpu.memory_space<vmem>>, %arg4: memref<512x256xf32, #tpu.memory_space<vmem>>, %arg5: memref<512x256xf32, #tpu.memory_space<vmem>>) attributes {dimension_semantics = [#tpu.dimension_semantics<arbitrary>], iteration_bounds = array<i64: 16>, scalar_prefetch = 0 : i64, scratch_operands = 0 : i64, tpu.core_type = #tpu.core_type<tc>, window_params = [{transform_indices = @transform_0, window_bounds = array<i64: 512, 256>}, {pipeline_mode = #tpu.pipeline_mode<synchronous>, transform_indices = @transform_1, window_bounds = array<i64: 256, 256>}, {pipeline_mode = #tpu.pipeline_mode<synchronous>, transform_indices = @transform_2, window_bounds = array<i64: 1, 256>}, {transform_indices = @transform_3, window_bounds = array<i64: 512, 256>}, {transform_indices = @transform_4, window_bounds = array<i64: 512, 256>}]} {
    %get3A = arith.constant 0 : index
    %get3A_0 = arith.constant 0 : index
    %get3A_1 = vector.load %arg1[%get3A, %get3A_0] : memref<512x256xf32, #tpu.memory_space<vmem>>, vector<512x256xf32>
    %get3A_2 = arith.constant 0 : index
    %get3A_3 = arith.constant 0 : index
    %get3A_4 = vector.load %arg2[%get3A_2, %get3A_3] : memref<256x256xf32, #tpu.memory_space<vmem>>, vector<256x256xf32>
    %dot_general3A = arith.constant dense<0.000000e+00> : vector<512x256xf32>
    %dot_general3A_5 = tpu.matmul %get3A_1, %get3A_4, %dot_general3A {dimension_numbers = #tpu.dot_dimension_numbers<[1], [1], [0], [0], [0, 0, 1, 0], [], []>, transpose_lhs_hint = false} : vector<512x256xf32>, vector<256x256xf32>, vector<512x256xf32> -> vector<512x256xf32>
    %get3A_6 = arith.constant 0 : index
    %get3A_7 = arith.constant 0 : index
    %get3A_8 = vector.load %arg3[%get3A_6, %get3A_7] : memref<1x256xf32, #tpu.memory_space<vmem>>, vector<1x256xf32>
    %add3A = vector.broadcast %get3A_8 : vector<1x256xf32> to vector<512x256xf32>
    %add3A_9 = arith.addf %dot_general3A_5, %add3A : vector<512x256xf32>
    %swap3A = arith.constant 0 : index
    %swap3A_10 = arith.constant 0 : index
    %swap3A_11 = vector.load %arg4[%swap3A, %swap3A_10] : memref<512x256xf32, #tpu.memory_space<vmem>>, vector<512x256xf32>
    tpu.vector_store %arg4[%swap3A, %swap3A_10], %add3A_9 {strides = array<i32>} : memref<512x256xf32, #tpu.memory_space<vmem>>, vector<512x256xf32>,
    %add3A_12 = arith.addf %add3A_9, %add3A_9 : vector<512x256xf32>
    %swap3A_13 = arith.constant 0 : index
    %swap3A_14 = arith.constant 0 : index
    %swap3A_15 = vector.load %arg5[%swap3A_13, %swap3A_14] : memref<512x256xf32, #tpu.memory_space<vmem>>, vector<512x256xf32>
    tpu.vector_store %arg5[%swap3A_13, %swap3A_14], %add3A_12 {strides = array<i32>} : memref<512x256xf32, #tpu.memory_space<vmem>>, vector<512x256xf32>,
    return
  }
  func.func @transform_0(%arg0: i32) -> (i32, i32) {
    %c0_i32 = arith.constant 0 : i32
    %c0_i32_0 = arith.constant 0 : i32
    return %arg0, %c0_i32 : i32, i32
  }
  func.func @transform_1(%arg0: i32) -> (i32, i32) {
    %c0_i32 = arith.constant 0 : i32
    %c0_i32_0 = arith.constant 0 : i32
    %c0_i32_1 = arith.constant 0 : i32
    return %c0_i32, %c0_i32_0 : i32, i32
  }
  func.func @transform_2(%arg0: i32) -> (i32, i32) {
    %c0_i32 = arith.constant 0 : i32
    %c0_i32_0 = arith.constant 0 : i32
    %c0_i32_1 = arith.constant 0 : i32
    return %c0_i32, %c0_i32_0 : i32, i32
  }
  func.func @transform_3(%arg0: i32) -> (i32, i32) {
    %c0_i32 = arith.constant 0 : i32
    %c0_i32_0 = arith.constant 0 : i32
    return %arg0, %c0_i32 : i32, i32
  }
  func.func @transform_4(%arg0: i32) -> (i32, i32) {
    %c0_i32 = arith.constant 0 : i32
    %c0_i32_0 = arith.constant 0 : i32
    return %arg0, %c0_i32 : i32, i32
  }
}

module attributes {stable_mosaic.version = 14 : i64} {
  func.func @_main_body(%arg0: i32, %arg1: memref<1152x256xf32, #tpu.memory_space<vmem>>, %arg2: memref<8192x256xf32, #tpu.memory_space<vmem>>, %arg3: memref<1152x1xf32, #tpu.memory_space<vmem>>, %arg4: memref<1x8192xf32, #tpu.memory_space<vmem>>, %arg5: memref<1152x1xi32, #tpu.memory_space<vmem>>, %arg6: memref<1x1xf32, #tpu.memory_space<vmem>>, %arg7: memref<1x1xf32, #tpu.memory_space<vmem>>) attributes {dimension_semantics = [#tpu.dimension_semantics<arbitrary>], iteration_bounds = array<i64: 8>, scalar_prefetch = 0 : i64, scratch_operands = 0 : i64, tpu.core_type = #tpu.core_type<tc>, window_params = [{transform_indices = @transform_0, window_bounds = array<i64: 1152, 256>}, {pipeline_mode = #tpu.pipeline_mode<synchronous>, transform_indices = @transform_1, window_bounds = array<i64: 8192, 256>}, {transform_indices = @transform_2, window_bounds = array<i64: 1152, 1>}, {pipeline_mode = #tpu.pipeline_mode<synchronous>, transform_indices = @transform_3, window_bounds = array<i64: 1, 8192>}, {transform_indices = @transform_4, window_bounds = array<i64: 1152, 1>}, {pipeline_mode = #tpu.pipeline_mode<synchronous>, transform_indices = @transform_5, window_bounds = array<i64: 1, 1>}, {pipeline_mode = #tpu.pipeline_mode<synchronous>, transform_indices = @transform_6, window_bounds = array<i64: 1, 1>}]} {
    %get3A = arith.constant 0 : index
    %get3A_0 = arith.constant 0 : index
    %get3A_1 = vector.load %arg1[%get3A, %get3A_0] : memref<1152x256xf32, #tpu.memory_space<vmem>>, vector<1152x256xf32>
    %get3A_2 = arith.constant 0 : index
    %get3A_3 = arith.constant 0 : index
    %get3A_4 = vector.load %arg3[%get3A_2, %get3A_3] : memref<1152x1xf32, #tpu.memory_space<vmem>>, vector<1152x1xf32>
    %iota3A = tpu.iota {dimensions = array<i32: 1>} : vector<1152x2048xi32>
    %convert_element_type3A = arith.sitofp %iota3A : vector<1152x2048xi32> to vector<1152x2048xf32>
    %broadcast_in_dim3A = arith.constant -3.40282347E+38 : f32
    %broadcast_in_dim3A_5 = vector.broadcast %broadcast_in_dim3A : f32 to vector<1152x1xf32>
    %broadcast_in_dim3A_6 = arith.constant 0.000000e+00 : f32
    %broadcast_in_dim3A_7 = vector.broadcast %broadcast_in_dim3A_6 : f32 to vector<1152x1xf32>
    %broadcast_in_dim3A_8 = arith.constant 0.000000e+00 : f32
    %broadcast_in_dim3A_9 = vector.broadcast %broadcast_in_dim3A_8 : f32 to vector<1152x1xf32>
    %broadcast_in_dim3A_10 = arith.constant 0 : i32
    %broadcast_in_dim3A_11 = vector.broadcast %broadcast_in_dim3A_10 : i32 to vector<1152x1xi32>
    %scan3A = arith.constant 0 : i32
    %scan3A_12 = arith.constant 4 : i32
    %scan3A_13 = arith.addi %scan3A, %scan3A_12 : i32
    %scan3A_14 = arith.constant 1 : i32
    %scan3A_15:4 = scf.for %scan3A_37 = %scan3A to %scan3A_13 step %scan3A_14 iter_args(%scan3A_38 = %broadcast_in_dim3A_5, %scan3A_39 = %broadcast_in_dim3A_7, %scan3A_40 = %broadcast_in_dim3A_9, %scan3A_41 = %broadcast_in_dim3A_11) -> (vector<1152x1xf32>, vector<1152x1xf32>, vector<1152x1xf32>, vector<1152x1xi32>)  : i32 {
      %mul3A = arith.constant 2048 : i32
      %mul3A_42 = arith.muli %scan3A_37, %mul3A : i32
      %get3A_43 = arith.index_cast %mul3A_42 : i32 to index
      %get3A_44 = arith.constant 0 : index
      %get3A_45 = vector.load %arg2[%get3A_43, %get3A_44] : memref<8192x256xf32, #tpu.memory_space<vmem>>, vector<2048x256xf32>
      %mul3A_46 = arith.constant 2048 : i32
      %mul3A_47 = arith.muli %scan3A_37, %mul3A_46 : i32
      %get3A_48 = arith.constant 0 : index
      %get3A_49 = arith.index_cast %mul3A_47 : i32 to index
      %get3A_50 = vector.load %arg4[%get3A_48, %get3A_49] : memref<1x8192xf32, #tpu.memory_space<vmem>>, vector<1x2048xf32>
      %dot_general3A = arith.constant dense<0.000000e+00> : vector<1152x2048xf32>
      %dot_general3A_51 = tpu.matmul %get3A_1, %get3A_45, %dot_general3A {dimension_numbers = #tpu.dot_dimension_numbers<[1], [1], [0], [0], [0, 0, 1, 0], [], []>, transpose_lhs_hint = false} : vector<1152x256xf32>, vector<2048x256xf32>, vector<1152x2048xf32> -> vector<1152x2048xf32>
      %add3A = vector.broadcast %get3A_4 : vector<1152x1xf32> to vector<1152x2048xf32>
      %add3A_52 = vector.broadcast %get3A_50 : vector<1x2048xf32> to vector<1152x2048xf32>
      %add3A_53 = arith.addf %add3A, %add3A_52 : vector<1152x2048xf32>
      %sub3A_54 = arith.subf %dot_general3A_51, %add3A_53 : vector<1152x2048xf32>
      %reduce_max3A = arith.constant dense<0xFF800000> : vector<1152xf32>
      %reduce_max3A_55 = vector.multi_reduction <maximumf>, %sub3A_54, %reduce_max3A [1] : vector<1152x2048xf32> to vector<1152xf32>
      %broadcast_in_dim3A_56 = vector.shape_cast %reduce_max3A_55 : vector<1152xf32> to vector<1152x1xf32>
      %eq3A_57 = vector.broadcast %broadcast_in_dim3A_56 : vector<1152x1xf32> to vector<1152x2048xf32>
      %eq3A_58 = arith.cmpf oeq, %sub3A_54, %eq3A_57 : vector<1152x2048xf32>
      %jit3A = arith.constant 1.000000e+09 : f32
      %broadcast_in_dim3A_59 = vector.broadcast %jit3A : f32 to vector<1152x2048xf32>
      %select_n3A = arith.select %eq3A_58, %convert_element_type3A, %broadcast_in_dim3A_59 : vector<1152x2048xi1>, vector<1152x2048xf32>
      %reduce_min3A = arith.constant dense<0x7F800000> : vector<1152xf32>
      %reduce_min3A_60 = vector.multi_reduction <minimumf>, %select_n3A, %reduce_min3A [1] : vector<1152x2048xf32> to vector<1152xf32>
      %broadcast_in_dim3A_61 = vector.shape_cast %reduce_min3A_60 : vector<1152xf32> to vector<1152x1xf32>
      %convert_element_type3A_62 = arith.fptosi %broadcast_in_dim3A_61 : vector<1152x1xf32> to vector<1152x1xi32>
      %mul3A_63 = arith.constant 2048 : i32
      %mul3A_64 = arith.muli %scan3A_37, %mul3A_63 : i32
      %add3A_65 = vector.broadcast %mul3A_64 : i32 to vector<1152x1xi32>
      %add3A_66 = arith.addi %convert_element_type3A_62, %add3A_65 : vector<1152x1xi32>
      %max3A = arith.maximumf %scan3A_38, %broadcast_in_dim3A_56 : vector<1152x1xf32>
      %sub3A_67 = arith.subf %scan3A_38, %max3A : vector<1152x1xf32>
      %exp3A = math.exp %sub3A_67 : vector<1152x1xf32>
      %sub3A_68 = arith.subf %max3A, %scan3A_38 : vector<1152x1xf32>
      %sub3A_69 = vector.broadcast %max3A : vector<1152x1xf32> to vector<1152x2048xf32>
      %sub3A_70 = arith.subf %sub3A_54, %sub3A_69 : vector<1152x2048xf32>
      %exp3A_71 = math.exp %sub3A_70 : vector<1152x2048xf32>
      %mul3A_72 = arith.mulf %exp3A_71, %sub3A_70 : vector<1152x2048xf32>
      %reduce_sum3A_73 = arith.constant dense<0.000000e+00> : vector<1152xf32>
      %reduce_sum3A_74 = vector.multi_reduction <add>, %exp3A_71, %reduce_sum3A_73 [1] : vector<1152x2048xf32> to vector<1152xf32>
      %broadcast_in_dim3A_75 = vector.shape_cast %reduce_sum3A_74 : vector<1152xf32> to vector<1152x1xf32>
      %reduce_sum3A_76 = arith.constant dense<0.000000e+00> : vector<1152xf32>
      %reduce_sum3A_77 = vector.multi_reduction <add>, %mul3A_72, %reduce_sum3A_76 [1] : vector<1152x2048xf32> to vector<1152xf32>
      %broadcast_in_dim3A_78 = vector.shape_cast %reduce_sum3A_77 : vector<1152xf32> to vector<1152x1xf32>
      %mul3A_79 = arith.mulf %scan3A_39, %exp3A : vector<1152x1xf32>
      %add3A_80 = arith.addf %mul3A_79, %broadcast_in_dim3A_75 : vector<1152x1xf32>
      %mul3A_81 = arith.mulf %sub3A_68, %scan3A_39 : vector<1152x1xf32>
      %sub3A_82 = arith.subf %scan3A_40, %mul3A_81 : vector<1152x1xf32>
      %mul3A_83 = arith.mulf %sub3A_82, %exp3A : vector<1152x1xf32>
      %add3A_84 = arith.addf %mul3A_83, %broadcast_in_dim3A_78 : vector<1152x1xf32>
      %gt3A_85 = arith.cmpf ogt, %broadcast_in_dim3A_56, %scan3A_38 : vector<1152x1xf32>
      %select_n3A_86 = arith.select %gt3A_85, %add3A_66, %scan3A_41 : vector<1152x1xi1>, vector<1152x1xi32>
      scf.yield %max3A, %add3A_80, %add3A_84, %select_n3A_86 : vector<1152x1xf32>, vector<1152x1xf32>, vector<1152x1xf32>, vector<1152x1xi32>
    }
    %scan3A_16 = arith.constant 4 : i32
    %log3A = math.log %scan3A_15#1 : vector<1152x1xf32>
    %div3A = arith.divf %scan3A_15#2, %scan3A_15#1 : vector<1152x1xf32>
    %sub3A = arith.subf %log3A, %div3A : vector<1152x1xf32>
    %swap3A = arith.constant 0 : index
    %swap3A_17 = arith.constant 0 : index
    %swap3A_18 = vector.load %arg5[%swap3A, %swap3A_17] : memref<1152x1xi32, #tpu.memory_space<vmem>>, vector<1152x1xi32>
    tpu.vector_store %arg5[%swap3A, %swap3A_17], %scan3A_15#3 {strides = array<i32>} : memref<1152x1xi32, #tpu.memory_space<vmem>>, vector<1152x1xi32>,
    %reduce_sum3A = vector.shape_cast %sub3A : vector<1152x1xf32> to vector<1x1152x1xf32>
    %reduce_sum3A_19 = arith.constant dense<0.000000e+00> : vector<1xf32>
    %reduce_sum3A_20 = vector.multi_reduction <add>, %reduce_sum3A, %reduce_sum3A_19 [1, 2] : vector<1x1152x1xf32> to vector<1xf32>
    %reduce_sum3A_21 = vector.shape_cast %reduce_sum3A_20 : vector<1xf32> to vector<1x1x1xf32>
    %reduce_sum3A_22 = vector.extract %reduce_sum3A_21[0, 0, 0] : f32 from vector<1x1x1xf32>
    %reshape3A = vector.broadcast %reduce_sum3A_22 : f32 to vector<1x1xf32>
    %reduce_sum3A_23 = vector.shape_cast %scan3A_15#0 : vector<1152x1xf32> to vector<1x1152x1xf32>
    %reduce_sum3A_24 = arith.constant dense<0.000000e+00> : vector<1xf32>
    %reduce_sum3A_25 = vector.multi_reduction <add>, %reduce_sum3A_23, %reduce_sum3A_24 [1, 2] : vector<1x1152x1xf32> to vector<1xf32>
    %reduce_sum3A_26 = vector.shape_cast %reduce_sum3A_25 : vector<1xf32> to vector<1x1x1xf32>
    %reduce_sum3A_27 = vector.extract %reduce_sum3A_26[0, 0, 0] : f32 from vector<1x1x1xf32>
    %neg3A = arith.constant 0.000000e+00 : f32
    %neg3A_28 = arith.subf %neg3A, %reduce_sum3A_27 : f32
    %reshape3A_29 = vector.broadcast %neg3A_28 : f32 to vector<1x1xf32>
    %eq3A = arith.constant 0 : i32
    %eq3A_30 = arith.cmpi eq, %arg0, %eq3A : i32
    %convert_element_type3A_31 = arith.extui %eq3A_30 : i1 to i32
    %cond3A = arith.constant 0 : i32
    %cond3A_32 = arith.cmpi ne, %convert_element_type3A_31, %cond3A : i32
    scf.if %cond3A_32 {
      %swap3A_37 = arith.constant 0 : index
      %swap3A_38 = arith.constant 0 : index
      %swap3A_39 = vector.load %arg6[%swap3A_37, %swap3A_38] : memref<1x1xf32, #tpu.memory_space<vmem>>, vector<1x1xf32>
      tpu.vector_store %arg6[%swap3A_37, %swap3A_38], %reshape3A {strides = array<i32>} : memref<1x1xf32, #tpu.memory_space<vmem>>, vector<1x1xf32>,
      %swap3A_40 = arith.constant 0 : index
      %swap3A_41 = arith.constant 0 : index
      %swap3A_42 = vector.load %arg7[%swap3A_40, %swap3A_41] : memref<1x1xf32, #tpu.memory_space<vmem>>, vector<1x1xf32>
      tpu.vector_store %arg7[%swap3A_40, %swap3A_41], %reshape3A_29 {strides = array<i32>} : memref<1x1xf32, #tpu.memory_space<vmem>>, vector<1x1xf32>,
    } else {
    }
    %gt3A = arith.constant 0 : i32
    %gt3A_33 = arith.cmpi sgt, %arg0, %gt3A : i32
    %convert_element_type3A_34 = arith.extui %gt3A_33 : i1 to i32
    %cond3A_35 = arith.constant 0 : i32
    %cond3A_36 = arith.cmpi ne, %convert_element_type3A_34, %cond3A_35 : i32
    scf.if %cond3A_36 {
      %get3A_37 = arith.constant 0 : index
      %get3A_38 = arith.constant 0 : index
      %get3A_39 = vector.load %arg6[%get3A_37, %get3A_38] : memref<1x1xf32, #tpu.memory_space<vmem>>, vector<1x1xf32>
      %add3A = arith.addf %get3A_39, %reshape3A : vector<1x1xf32>
      %swap3A_40 = arith.constant 0 : index
      %swap3A_41 = arith.constant 0 : index
      %swap3A_42 = vector.load %arg6[%swap3A_40, %swap3A_41] : memref<1x1xf32, #tpu.memory_space<vmem>>, vector<1x1xf32>
      tpu.vector_store %arg6[%swap3A_40, %swap3A_41], %add3A {strides = array<i32>} : memref<1x1xf32, #tpu.memory_space<vmem>>, vector<1x1xf32>,
      %get3A_43 = arith.constant 0 : index
      %get3A_44 = arith.constant 0 : index
      %get3A_45 = vector.load %arg7[%get3A_43, %get3A_44] : memref<1x1xf32, #tpu.memory_space<vmem>>, vector<1x1xf32>
      %add3A_46 = arith.addf %get3A_45, %reshape3A_29 : vector<1x1xf32>
      %swap3A_47 = arith.constant 0 : index
      %swap3A_48 = arith.constant 0 : index
      %swap3A_49 = vector.load %arg7[%swap3A_47, %swap3A_48] : memref<1x1xf32, #tpu.memory_space<vmem>>, vector<1x1xf32>
      tpu.vector_store %arg7[%swap3A_47, %swap3A_48], %add3A_46 {strides = array<i32>} : memref<1x1xf32, #tpu.memory_space<vmem>>, vector<1x1xf32>,
    } else {
    }
    return
  }
  func.func @transform_0(%arg0: i32) -> (i32, i32) {
    %c0_i32 = arith.constant 0 : i32
    %c0_i32_0 = arith.constant 0 : i32
    return %arg0, %c0_i32 : i32, i32
  }
  func.func @transform_1(%arg0: i32) -> (i32, i32) {
    %c0_i32 = arith.constant 0 : i32
    %c0_i32_0 = arith.constant 0 : i32
    %c0_i32_1 = arith.constant 0 : i32
    return %c0_i32, %c0_i32_0 : i32, i32
  }
  func.func @transform_2(%arg0: i32) -> (i32, i32) {
    %c0_i32 = arith.constant 0 : i32
    %c0_i32_0 = arith.constant 0 : i32
    return %arg0, %c0_i32 : i32, i32
  }
  func.func @transform_3(%arg0: i32) -> (i32, i32) {
    %c0_i32 = arith.constant 0 : i32
    %c0_i32_0 = arith.constant 0 : i32
    %c0_i32_1 = arith.constant 0 : i32
    return %c0_i32, %c0_i32_0 : i32, i32
  }
  func.func @transform_4(%arg0: i32) -> (i32, i32) {
    %c0_i32 = arith.constant 0 : i32
    %c0_i32_0 = arith.constant 0 : i32
    return %arg0, %c0_i32 : i32, i32
  }
  func.func @transform_5(%arg0: i32) -> (i32, i32) {
    %c0_i32 = arith.constant 0 : i32
    %c0_i32_0 = arith.constant 0 : i32
    %c0_i32_1 = arith.constant 0 : i32
    return %c0_i32, %c0_i32_0 : i32, i32
  }
  func.func @transform_6(%arg0: i32) -> (i32, i32) {
    %c0_i32 = arith.constant 0 : i32
    %c0_i32_0 = arith.constant 0 : i32
    %c0_i32_1 = arith.constant 0 : i32
    return %c0_i32, %c0_i32_0 : i32, i32
  }
}

module attributes {stable_mosaic.version = 14 : i64} {
  func.func @_final_body(%arg0: memref<1x1xf32, #tpu.memory_space<vmem>>, %arg1: memref<1x1xf32, #tpu.memory_space<vmem>>, %arg2: memref<9216x1xi32, #tpu.memory_space<vmem>>, %arg3: memref<1x1xf32, #tpu.memory_space<vmem>>) attributes {dimension_semantics = [], scalar_prefetch = 0 : i64, scratch_operands = 0 : i64, tpu.core_type = #tpu.core_type<tc>} {
    %iota3A = tpu.iota {dimensions = array<i32: 1>} : vector<1152x64xi32>
    %iota3A_0 = tpu.iota {dimensions = array<i32: 1>} : vector<1152x128xi32>
    %broadcast_in_dim3A = arith.constant 0.000000e+00 : f32
    %broadcast_in_dim3A_1 = vector.broadcast %broadcast_in_dim3A : f32 to vector<64x128xf32>
    %scan3A = arith.constant 0 : i32
    %scan3A_2 = arith.constant 8 : i32
    %scan3A_3 = arith.addi %scan3A, %scan3A_2 : i32
    %scan3A_4 = arith.constant 1 : i32
    %scan3A_5 = scf.for %scan3A_53 = %scan3A to %scan3A_3 step %scan3A_4 iter_args(%scan3A_54 = %broadcast_in_dim3A_1) -> (vector<64x128xf32>)  : i32 {
      %mul3A_55 = arith.constant 1152 : i32
      %mul3A_56 = arith.muli %scan3A_53, %mul3A_55 : i32
      %get3A_57 = arith.index_cast %mul3A_56 : i32 to index
      %get3A_58 = arith.constant 0 : index
      %get3A_59 = vector.load %arg2[%get3A_57, %get3A_58] : memref<9216x1xi32, #tpu.memory_space<vmem>>, vector<1152x1xi32>
      %shift_right_arithmetic3A = arith.constant 7 : i32
      %shift_right_arithmetic3A_60 = vector.broadcast %shift_right_arithmetic3A : i32 to vector<1152x1xi32>
      %shift_right_arithmetic3A_61 = arith.shrsi %get3A_59, %shift_right_arithmetic3A_60 : vector<1152x1xi32>
      %eq3A = vector.broadcast %shift_right_arithmetic3A_61 : vector<1152x1xi32> to vector<1152x64xi32>
      %eq3A_62 = arith.cmpi eq, %iota3A, %eq3A : vector<1152x64xi32>
      %convert_element_type3A = arith.extui %eq3A_62 : vector<1152x64xi1> to vector<1152x64xi32>
      %convert_element_type3A_63 = arith.sitofp %convert_element_type3A : vector<1152x64xi32> to vector<1152x64xf32>
      %convert_element_type3A_64 = arith.truncf %convert_element_type3A_63 : vector<1152x64xf32> to vector<1152x64xbf16>
      %and3A = arith.constant 127 : i32
      %and3A_65 = vector.broadcast %and3A : i32 to vector<1152x1xi32>
      %and3A_66 = arith.andi %get3A_59, %and3A_65 : vector<1152x1xi32>
      %eq3A_67 = vector.broadcast %and3A_66 : vector<1152x1xi32> to vector<1152x128xi32>
      %eq3A_68 = arith.cmpi eq, %iota3A_0, %eq3A_67 : vector<1152x128xi32>
      %convert_element_type3A_69 = arith.extui %eq3A_68 : vector<1152x128xi1> to vector<1152x128xi32>
      %convert_element_type3A_70 = arith.sitofp %convert_element_type3A_69 : vector<1152x128xi32> to vector<1152x128xf32>
      %convert_element_type3A_71 = arith.truncf %convert_element_type3A_70 : vector<1152x128xf32> to vector<1152x128xbf16>
      %dot_general3A = arith.constant dense<0.000000e+00> : vector<64x128xf32>
      %dot_general3A_72 = tpu.matmul %convert_element_type3A_64, %convert_element_type3A_71, %dot_general3A {dimension_numbers = #tpu.dot_dimension_numbers<[0], [0], [1], [1], [0, 1, 1, 1], [], []>, transpose_lhs_hint = false} : vector<1152x64xbf16>, vector<1152x128xbf16>, vector<64x128xf32> -> vector<64x128xf32>
      %add3A_73 = arith.addf %scan3A_54, %dot_general3A_72 : vector<64x128xf32>
      scf.yield %add3A_73 : vector<64x128xf32>
    }
    %scan3A_6 = arith.constant 8 : i32
    %div3A = arith.constant 9.216000e+03 : f32
    %div3A_7 = vector.broadcast %div3A : f32 to vector<64x128xf32>
    %div3A_8 = arith.divf %scan3A_5, %div3A_7 : vector<64x128xf32>
    %add3A = arith.constant 9.99999974E-6 : f32
    %add3A_9 = vector.broadcast %add3A : f32 to vector<64x128xf32>
    %add3A_10 = arith.addf %div3A_8, %add3A_9 : vector<64x128xf32>
    %log3A = math.log %add3A_10 : vector<64x128xf32>
    %mul3A = arith.mulf %add3A_10, %log3A : vector<64x128xf32>
    %reduce_sum3A = vector.shape_cast %mul3A : vector<64x128xf32> to vector<1x64x128xf32>
    %reduce_sum3A_11 = arith.constant dense<0.000000e+00> : vector<1xf32>
    %reduce_sum3A_12 = vector.multi_reduction <add>, %reduce_sum3A, %reduce_sum3A_11 [1, 2] : vector<1x64x128xf32> to vector<1xf32>
    %reduce_sum3A_13 = vector.shape_cast %reduce_sum3A_12 : vector<1xf32> to vector<1x1x1xf32>
    %reduce_sum3A_14 = vector.extract %reduce_sum3A_13[0, 0, 0] : f32 from vector<1x1x1xf32>
    %neg3A = arith.constant 0.000000e+00 : f32
    %neg3A_15 = arith.subf %neg3A, %reduce_sum3A_14 : f32
    %reshape3A = vector.broadcast %neg3A_15 : f32 to vector<1x1xf32>
    %get3A = arith.constant 0 : index
    %get3A_16 = arith.constant 0 : index
    %get3A_17 = vector.load %arg0[%get3A, %get3A_16] : memref<1x1xf32, #tpu.memory_space<vmem>>, vector<1x1xf32>
    %div3A_18 = arith.constant 9.216000e+03 : f32
    %div3A_19 = vector.broadcast %div3A_18 : f32 to vector<1x1xf32>
    %div3A_20 = arith.divf %get3A_17, %div3A_19 : vector<1x1xf32>
    %div3A_21 = arith.constant 9.01091289 : f32
    %div3A_22 = vector.broadcast %div3A_21 : f32 to vector<1x1xf32>
    %div3A_23 = arith.divf %div3A_20, %div3A_22 : vector<1x1xf32>
    %sub3A = arith.constant 1.000000e+00 : f32
    %sub3A_24 = vector.broadcast %sub3A : f32 to vector<1x1xf32>
    %sub3A_25 = arith.subf %sub3A_24, %div3A_23 : vector<1x1xf32>
    %mul3A_26 = arith.constant 1.000000e-01 : f32
    %mul3A_27 = vector.broadcast %mul3A_26 : f32 to vector<1x1xf32>
    %mul3A_28 = arith.mulf %mul3A_27, %sub3A_25 : vector<1x1xf32>
    %get3A_29 = arith.constant 0 : index
    %get3A_30 = arith.constant 0 : index
    %get3A_31 = vector.load %arg1[%get3A_29, %get3A_30] : memref<1x1xf32, #tpu.memory_space<vmem>>, vector<1x1xf32>
    %div3A_32 = arith.constant 0x4A100000 : f32
    %div3A_33 = vector.broadcast %div3A_32 : f32 to vector<1x1xf32>
    %div3A_34 = arith.divf %get3A_31, %div3A_33 : vector<1x1xf32>
    %mul3A_35 = arith.constant 2.500000e-01 : f32
    %mul3A_36 = vector.broadcast %mul3A_35 : f32 to vector<1x1xf32>
    %mul3A_37 = arith.mulf %mul3A_36, %div3A_34 : vector<1x1xf32>
    %add3A_38 = arith.addf %div3A_34, %mul3A_37 : vector<1x1xf32>
    %log3A_39 = arith.constant 8.192000e+03 : f32
    %log3A_40 = math.log %log3A_39 : f32
    %div3A_41 = vector.broadcast %log3A_40 : f32 to vector<1x1xf32>
    %div3A_42 = arith.divf %reshape3A, %div3A_41 : vector<1x1xf32>
    %sub3A_43 = arith.constant 1.000000e+00 : f32
    %sub3A_44 = vector.broadcast %sub3A_43 : f32 to vector<1x1xf32>
    %sub3A_45 = arith.subf %sub3A_44, %div3A_42 : vector<1x1xf32>
    %mul3A_46 = arith.constant 1.000000e-01 : f32
    %mul3A_47 = vector.broadcast %mul3A_46 : f32 to vector<1x1xf32>
    %mul3A_48 = arith.mulf %mul3A_47, %sub3A_45 : vector<1x1xf32>
    %add3A_49 = arith.addf %add3A_38, %mul3A_28 : vector<1x1xf32>
    %add3A_50 = arith.addf %add3A_49, %mul3A_48 : vector<1x1xf32>
    %swap3A = arith.constant 0 : index
    %swap3A_51 = arith.constant 0 : index
    %swap3A_52 = vector.load %arg3[%swap3A, %swap3A_51] : memref<1x1xf32, #tpu.memory_space<vmem>>, vector<1x1xf32>
    tpu.vector_store %arg3[%swap3A, %swap3A_51], %add3A_50 {strides = array<i32>} : memref<1x1xf32, #tpu.memory_space<vmem>>, vector<1x1xf32>,
    return
  }
}

</mosaic_0001>

<sc_bundles>
// kernel: kernel.6.cloned.1.call-start
scs
__scs_entry_jumppad:
0x0: {  	(pc) =	sbr.rel $0x88, $3  }
0x1: {  	(tag) =	ssettag $0x0;
	lr =	simm.s32 $0x1  }
0x2: {  	[smem:$0x3F9D] =	sst lr;
	_ =	strace $0xD0000000  }
0x3: {  	_ = 	snop  }
0x4: {  	_ = 	snop  }
0x5: {  	_ = 	snop  }
0x6: {  	_ = 	snop  }
0x7: {  	_ = 	snop  }
__scs_overlays_trampoline_lowered:
0x8: {  	[smem:$0x3FAC] =	sst s0  }
0x9: {  	[smem:$0x3FAD] =	sst s1  }
0xa: {  	[smem:$0x3FAE] =	sst s2  }
0xb: {  	[smem:$0x3FAF] =	sst s3  }
0xc: {  	[smem:$0x3FB0] =	sst s4  }
0xd: {  	[smem:$0x3FB1] =	sst s5  }
0xe: {  	[smem:$0x3FB2] =	sst s6  }
0xf: {  	[smem:$0x3FB3] =	sst s7  }
0x10: {  	[smem:$0x3FB4] =	sst s8  }
0x11: {  	[smem:$0x3FB5] =	sst s9;
	s0 =	simm.s32 @!p0 $0x0  }
0x12: {  	s1 =	sld [smem:$0x3F9B];
	s0 =	simm.s32 @p0 $0x1  }
0x13: {  	[smem:$0x3FB6] =	sst s0;
	s0 =	simm.s32 @!p1 $0x0  }
0x14: {  	s2 =	sld [smem:$0x3F9A];
	s0 =	simm.s32 @p1 $0x1  }
0x15: {  	[smem:$0x3FB7] =	sst s0;
	s0 =	simm.s32 @!p2 $0x0  }
0x16: {  	s3 =	sld [smem:$0x3FDB];
	s0 =	simm.s32 @p2 $0x1  }
0x17: {  	s4 =	simm.s32 $0x1BF5;
	[smem:$0x3FB9] =	sst s0  }
0x18: {  	s0 =	sld [smem:$0x3F9C];
	_ =	swait.ge [sflag:s4], $0x0  }
0x19: {  	s7 =	sld [smem:$0x3F9D]  }
0x1a: {  	s8 =	sadd.s32 $0xFFFFE003, lr  }
0x1b: {  	s9 =	sadd.s32 $0xFFFFFEF7, lr;
	s5 =	simm.s32 $0xFFFFFFFF;
	p2 =	slt.u32 s8, $0xFFFFF086  }
0x1c: {  	p1 =	slt.u32 s9, $0xF7A;
	s5 =	simm.s32 @!p2 $0x0  }
0x1d: {  	s5 =	simm.s32 @p1 $0x1;
	p0 =	seq.s32 s7, s2  }
0x1e: {  	s7 =	smul.u32 @!p0 $0xF7A, s2;
	p2 =	seq.s32 @!p0 s5, $0x0  }
0x1f: {  	s9 =	smul.u32 $0xF7A, s1;
	s8 =	simm.s32 @!p0 $0x1BF5;
	p2 =	por !p2, p0  }
0x20: {  	[sflag:s8] =	ssyncset.s32 @!p0 $0xFFFFF086;
	s6 =	sadd.s32 @!p0 s3, s7;
	s7 =	simm.s32 @!p0 $0x108  }
0x21: {  	s3 =	sadd.s32 s3, s9;
	s6 =	sadd.s32 @!p0 $0x88, s6;
	s7 =	simm.s32 @p2 $0x1082  }
0x22: {  	[simem:s7], [sflag:s8] =	dma.local @!p0 [hbm:s6], $0xF7A  }
0x23: {  	s9 =	sor.u32 $0xD0000000, s2;
	s6 =	simm.s32 $0x108;
	_ =	swait.ge @!p0 [sflag:s8], $0x0  }
0x24: {  	s3 =	sadd.s32 $0x88, s3;
	s6 =	simm.s32 @!p1 $0x1082;
	[sflag:s4] =	ssyncset.s32 $0xFFFFF086  }
0x25: {  	[simem:s6], [sflag:s4] =	dma.local [hbm:s3], $0xF7A  }
0x26: {  	[smem:$0x3F9D] =	sst s1;
	(tag) =	ssettag s2;
	_ =	strace s9  }
0x27: {  	s1 =	sld [smem:$0x3FAD]  }
0x28: {  	s2 =	sld [smem:$0x3FAE]  }
0x29: {  	s4 =	sld [smem:$0x3FB0]  }
0x2a: {  	p0 =	seq.s32 s5, $0x0;
	s5 =	sld [smem:$0x3FB1]  }
0x2b: {  	s6 =	sld [smem:$0x3FB2]  }
0x2c: {  	s7 =	sld [smem:$0x3FB3]  }
0x2d: {  	s3 =	simm.s32 $0x108;
	s8 =	sld [smem:$0x3FB4]  }
0x2e: {  	s3 =	simm.s32 @!p0 $0x1082;
	s9 =	sld [smem:$0x3FB5]  }
0x2f: {  	lr =	sadd.s32 s0, s3;
	s0 =	sld [smem:$0x3FAC]  }
0x30: {  	s3 =	sld [smem:$0x3FAF]  }
0x31: {  	[smem:$0x3FB8] =	sst s10  }
0x32: {  	s10 =	sld [smem:$0x3FB6];
	_ =	sdelay $0x3  }
0x33: {  	p0 =	seq.s32 s10, $0x1;
	s10 =	sld [smem:$0x3FB8];
	_ =	sdelay $0x3  }
0x34: {  	[smem:$0x3FB8] =	sst s10  }
0x35: {  	s10 =	sld [smem:$0x3FB7];
	_ =	sdelay $0x3  }
0x36: {  	p1 =	seq.s32 s10, $0x1;
	s10 =	sld [smem:$0x3FB8];
	_ =	sdelay $0x3  }
0x37: {  	[smem:$0x3FB8] =	sst s10  }
0x38: {  	s10 =	sld [smem:$0x3FB9]  }
0x39: {  	_ = 	snop;
	(pc) =	sbr.ind lr, $3  }
0x3a: {  	_ = 	snop  }
0x3b: {  	_ = 	snop  }
0x3c: {  	p2 =	seq.s32 s10, $0x1;
	s10 =	sld [smem:$0x3FB8]  }
0x3d: {  	_ =	shalt  }
0x3e: {  	_ =	shalt  }
0x3f: {  	_ =	shalt  }
0x40: {  	_ =	shalt  }
0x41: {  	_ =	shalt  }
0x42: {  	_ =	shalt  }
0x43: {  	_ =	shalt  }
0x44: {  	_ =	shalt  }
0x45: {  	_ =	shalt  }
0x46: {  	_ =	shalt  }
0x47: {  	_ =	shalt  }
0x48: {  	_ =	shalt  }
0x49: {  	_ =	shalt  }
0x4a: {  	_ =	shalt  }
0x4b: {  	_ =	shalt  }
0x4c: {  	_ =	shalt  }
0x4d: {  	_ =	shalt  }
0x4e: {  	_ =	shalt  }
0x4f: {  	_ =	shalt  }
0x50: {  	_ =	shalt  }
0x51: {  	_ =	shalt  }
0x52: {  	_ =	shalt  }
0x53: {  	_ =	shalt  }
0x54: {  	_ =	shalt  }
0x55: {  	_ =	shalt  }
0x56: {  	_ =	shalt  }
0x57: {  	_ =	shalt  }
0x58: {  	_ =	shalt  }
0x59: {  	_ =	shalt  }
0x5a: {  	_ =	shalt  }
0x5b: {  	_ =	shalt  }
0x5c: {  	_ =	shalt  }
0x5d: {  	_ =	shalt  }
0x5e: {  	_ =	shalt  }
0x5f: {  	_ =	shalt  }
0x60: {  	_ =	shalt  }
0x61: {  	_ =	shalt  }
0x62: {  	_ =	shalt  }
0x63: {  	_ =	shalt  }
0x64: {  	_ =	shalt  }
0x65: {  	_ =	shalt  }
0x66: {  	_ =	shalt  }
0x67: {  	_ =	shalt  }
0x68: {  	_ =	shalt  }
0x69: {  	_ =	shalt  }
0x6a: {  	_ =	shalt  }
0x6b: {  	_ =	shalt  }
0x6c: {  	_ =	shalt  }
0x6d: {  	_ =	shalt  }
0x6e: {  	_ =	shalt  }
0x6f: {  	_ =	shalt  }
0x70: {  	_ =	shalt  }
0x71: {  	_ =	shalt  }
0x72: {  	_ =	shalt  }
0x73: {  	_ =	shalt  }
0x74: {  	_ =	shalt  }
0x75: {  	_ =	shalt  }
0x76: {  	_ =	shalt  }
0x77: {  	_ =	shalt  }
0x78: {  	_ =	shalt  }
0x79: {  	_ =	shalt  }
0x7a: {  	_ =	shalt  }
0x7b: {  	_ =	shalt  }
0x7c: {  	_ =	shalt  }
0x7d: {  	_ =	shalt  }
0x7e: {  	_ =	shalt  }
0x7f: {  	_ =	shalt  }
0x80: {  	_ =	shalt  }
0x81: {  	_ =	shalt  }
0x82: {  	_ =	shalt  }
0x83: {  	_ =	shalt  }
0x84: {  	_ =	shalt  }
0x85: {  	_ =	shalt  }
0x86: {  	_ =	shalt  }
0x87: {  	_ =	shalt  }
.Lfunc_end0:
.L_simem_size_0:
called_computation_lowered:
.L_overlay_start_0:
0x88: {  	s2 =	sld [smem:$0x3FD9]  }
0x89: {  	s3 =	sld [smem:$0x3FFE];
	_ =	sdelay $0x1  }
0x8a: {  	s1 =	srdreg.scid  }
0x8b: {  	s0 =	sand.u32 $0x1, s1  }
0x8c: {  	s14 =	sshll.u32 s0, $0xA;
	s2 =	sadd.s32 s3, s2  }
0x8d: {  	s2 =	sadd.s32 s2, s14  }
0x8e: {  	[smem:$0x3FC4] =	sst s2  }
0x8f: {  	_ = 	snop  }
0x90: {  	s2 =	sld [smem:$0x3FD0];
	_ =	sdelay $0x2  }
0x91: {  	s15 =	simm.s32 $0xA;
	s4 =	simm.s32 $0x10  }
0x92: {  	[smem:s4], [sflag:s15] =	dma.local [hbm:s2], $0x1  }
0x93: {  	_ =	swait.eq [sflag:s15], $0x1  }
0x94: {  	[sflag:s15] =	ssyncset.done $0x0  }
0x95: {  	s16 =	sld [smem:$0x10];
	[sflag:s15] =	ssyncadd.s32 $0xFFFFFFFF  }
0x96: {  	s17 =	sld [smem:$0x12];
	(tm) =	ssettm $0x1  }
0x97: {  	s18 =	sld [smem:$0x3FFB];
	_ =	sdelay $0x3  }
0x98: {  	_ =	strace s18  }
0x99: {  	s4 =	sld [smem:$0x3FFC];
	_ =	sdelay $0x3  }
0x9a: {  	_ =	strace s4  }
0x9b: {  	s4 =	sld [smem:$0x3FFD];
	_ =	sdelay $0x3  }
0x9c: {  	_ =	strace s4  }
0x9d: {  	_ =	strace $0x8FFFFFFF  }
0x9e: {  	s19 =	sld [smem:$0x3FDB];
	_ =	sdelay $0x1  }
0x9f: {  	s5 =	simm.s32 $_scs_section_size  }
0xa0: {  	s6 =	simm.s32 $_size__tile_overlayer_lowered;
	s7 =	simm.s32 $_tile_overlayer_lowered  }
0xa1: {  	s22 =	simm.s32 $0x1BFF;
	s21 =	sshll.u32 s7, $0x1;
	s4 =	sadd.s32 s5, s19  }
0xa2: {  	s8 =	simm.s32 $0x0;
	s20 =	sshll.u32 s6, $0x1;
	s6 =	sadd.s32 s21, s4  }
0xa3: {  	[timem:s8], [sflag:s22] =	dma.local [hbm:s6], s20  }
0xa4: {  	_ =	swait.ge [sflag:s22], s20  }
0xa5: {  	s5 =	ssub.s32 $0x0, s20;
	[sflag:s22] =	ssyncset.done $0x0  }
0xa6: {  	[sflag:s22] =	ssyncadd.s32 s5;
	_ =	sdelay $0x1  }
0xa7: {  	s23 =	simm.s32 $0x1B8B  }
0xa8: {  	_ =	swait.ge [sflag:s23], $0x1  }
0xa9: {  	[sflag:s23] =	ssyncset.done $0x0  }
0xaa: {  	s25 =	simm.s32 $0x1B8E;
	s24 =	sld [smem:$0x3FFE];
	[sflag:s23] =	ssyncadd.s32 $0xFFFFFFFF  }
0xab: {  	s26 =	simm.s32 $execute0_lowered;
	[smem:$0x3FD2] =	sst s25  }
0xac: {  	s6 =	sshll.u32 s26, $0x1;
	_ =	strace $0x80000046;
	[dreg:$0x1] =	wrdreg $0xFFFFFFFF  }
0xad: {  	s28 =	simm.s32 $_size_execute0_lowered;
	s4 =	sadd.s32 s4, s6;
	[dreg:$0x0] =	wrdreg $0x0  }
0xae: {  	s6 =	sshll.u32 s28, $0x1;
	[dreg:$0x2] =	wrdreg s4  }
0xaf: {  	[dreg:$0x3] =	wrdreg s6  }
0xb0: {  	[dreg:$0x4] =	wrdreg $0xC0  }
0xb1: {  	_ =	task [dreg:s8], $0x5FFFF  }
0xb2: {  	[dreg:$0x1] =	wrdreg $0xFFFFFFFF  }
0xb3: {  	[dreg:$0x0] =	wrdreg $0x60  }
0xb4: {  	[dreg:$0x2] =	wrdreg s24  }
0xb5: {  	[dreg:$0x3] =	wrdreg s17  }
0xb6: {  	[dreg:$0x4] =	wrdreg s16  }
0xb7: {  	[dreg:$0x5] =	wrdreg $0x9  }
0xb8: {  	_ =	task.clear_ibuf [dreg:s8], $0x6FFFF;
	_ =	strace $0x90000046  }
0xb9: {  	s29 =	simm.s32 $0x9;
	_ =	strace $0x80000048  }
0xba: {  	_ =	swait.ge [sflag:s29], $0x1  }
0xbb: {  	[sflag:s29] =	ssyncadd.s32 $0xFFFFFFFF  }
0xbc: {  	_ =	strace $0x90000048  }
0xbd: {  	_ =	sfence  }
0xbe: {  	s30 =	sld [smem:$0x0];
	_ =	sdelay $0x2  }
0xbf: {  	s31 =	sshll.u32 s1, $0xD;
	s1 =	sshrl.u32 s1, $0x2  }
0xc0: {  	s3 =	sand.u32 $0x4000, s31;
	s1 =	sadd.s32 s1, s30  }
0xc1: {  	s0 =	sor.u32 s3, s0;
	s1 =	sshll.u32 s1, $0x11  }
0xc2: {  	s0 =	sor.u32 s1, s0  }
0xc3: {  	s0 =	sadd.s32 $0x8F2B, s0  }
0xc4: {  	[sflag:s0] =	ssyncadd.remote.s32 $0x1  }
0xc5: {  	_ =	sfence.sel $0xFFFF  }
0xc6: {  	[dreg:$0x0] =	wrdreg $0xFFFFFFFF;
	(pc) =	sbr.abs _section_cstart, $3  }
0xc7: {  	[dreg:$0x1] =	wrdreg $0xFFFFFFFF  }
0xc8: {  	_ =	task.clear_ibuf [dreg:s8], $0x2FFFF;
	_ =	strace $0x9FFFFFFF  }
0xc9: {  	(tm) =	ssettm $0x7FFFFFFF  }
tec
execute0_lowered:
.L_overlay_start_1:
0x0: {  	(tag) =	ssettag $0x1  }
0x1: {  	s1 =	rddreg [dreg:$0x0]  }
0x2: {  	s2 =	srdreg.scid;
	s4 =	rddreg [dreg:$0x1]  }
0x3: {  	s0 =	stileid.u32;
	s5 =	rddreg [dreg:$0x2];
	s15 =	simm.s32 $0x980  }
0x4: {  	s16 =	simm.s32 $0x1180;
	s2 =	sand.u32 $0x1, s2;
	s3 =	sshll.u32 s0, $0x1  }
0x5: {  	s17 =	simm.s32 $0x1980;
	s6 =	sor.u32 s2, s3;
	s3 =	simm.s32 $0x0  }
0x6: {  	s18 =	simm.s32 $0x2180;
	s19 =	simm.s32 $0x2980;
	[smem:$0x7FF] =	sst s3  }
0x7: {  	s20 =	simm.s32 $0x3180;
	_ =	strace $0x80000047;
	[dreg:$0x6] =	wrdreg s15  }
0x8: {  	s21 =	simm.s32 $0x3980;
	s23 =	simm.s32 $0x4180;
	[dreg:$0x7] =	wrdreg s16  }
0x9: {  	s24 =	simm.s32 $0x4980;
	s25 =	simm.s32 $0x5180;
	[dreg:$0x8] =	wrdreg s17  }
0xa: {  	s26 =	simm.s32 $0x5980;
	s8 =	simm.s32 $0x6980;
	[dreg:$0x9] =	wrdreg s18  }
0xb: {  	s9 =	simm.s32 $0x7180;
	s10 =	simm.s32 $0x7980;
	[dreg:$0xa] =	wrdreg s19  }
0xc: {  	s11 =	simm.s32 $0x8180;
	s12 =	simm.s32 $0x8980;
	[dreg:$0xb] =	wrdreg s20  }
0xd: {  	s13 =	simm.s32 $0x9180;
	s28 =	simm.s32 $0x10180;
	[dreg:$0xc] =	wrdreg s21  }
0xe: {  	s29 =	simm.s32 $0x10980;
	s30 =	simm.s32 $0x11180;
	[dreg:$0xd] =	wrdreg s23  }
0xf: {  	s31 =	simm.s32 $0x11980;
	s2 =	ssub.s32 $0x2, s2;
	[dreg:$0xe] =	wrdreg s24  }
0x10: {  	s7 =	smul.u32 $0x24, s6;
	s22 =	sshrl.u32 s2, $0x1;
	[dreg:$0xf] =	wrdreg s25  }
0x11: {  	s6 =	smul.u32 $0x2400, s6;
	s2 =	ssub.s32 s2, s22;
	[dreg:$0x10] =	wrdreg s26  }
0x12: {  	s15 =	simm.s32 $0xA180;
	s16 =	simm.s32 $0xA980;
	s17 =	simm.s32 $0xB180  }
0x13: {  	s18 =	simm.s32 $0xB980;
	s19 =	simm.s32 $0xC180;
	s20 =	simm.s32 $0xC980  }
0x14: {  	s21 =	simm.s32 $0xD180;
	s22 =	simm.s32 $0xD980;
	s23 =	simm.s32 $0xE180  }
0x15: {  	s24 =	simm.s32 $0xE980;
	s25 =	simm.s32 $0xF180;
	s4 =	sadd.s32 s4, s7  }
0x16: {  	v2 =	vlaneseq.u32;
	s26 =	simm.s32 $0xF980;
	s14 =	sadd.s32 s5, s6;
	[dreg:$0x4] =	wrdreg s4  }
0x17: {  	vm0 =	vmmov $0xffff;
	v1 =	vshrl.u32 v2, $0x3;
	s5 =	simm.s32 $0x2;
	s6 =	simm.s32 $0x180;
	[dreg:$0x5] =	wrdreg s14  }
0x18: {  	v0 =	vand.u32 $0x7, v2;
	v2 =	vor.u32 $0x8, v2;
	v1 =	vmul.u32 $0x8, v1;
	s4 =	smax.u32 s2, $0x1;
	s14 =	simm.s32 $0x9980;
	s2 =	simm.s32 $0x1  }
.LBB2_1:
0x19: {  	s0 =	rddreg [dreg:$0x4]  }
0x1a: {  	[tilespmem:s3], [sflag:$0x2] =	stream.linear.gather [hbm4b:s0+s3], $0x120, $0x38;
	[tilespmem:$0x12180] =	vst v63  }
0x1b: {  	_ =	swait.ge [sflag:s5], $0x120  }
0x1c: {  	[sflag:s5] =	ssyncset.done $0x0  }
0x1d: {  	[sflag:s5] =	ssyncadd.s32 $0xFFFFFEE0  }
0x1e: {  	v3 =	vld [tilespmem:$0x0];
	_ =	sdelay $0x4  }
0x1f: {  	v4 =	vshll.u32 v3, $0x1  }
0x20: {  	v3 =	vand.u32 $0x7, v3;
	v4 =	vand.u32 $0xFFFFFFF0, v4  }
0x21: {  	v3 =	vor.u32 v3, v4  }
0x22: {  	v4 =	vperm.xlane v3, v0;
	_ =	sdelay $0x1  }
0x23: {  	v3 =	vperm.xlane v3, v2;
	v4 =	vadd.s32 v1, v4;
	_ =	sdelay $0x1  }
0x24: {  	v3 =	vadd.s32 v1, v3;
	_ =	sdelay $0x2  }
0x25: {  	[tilespmem:s6], [sflag:$0x1] =	stream.indirect_vreg.gather [hbm4b:s1+s3], $0x80, v4, vm0, $0xb8;
	[tilespmem:$0x12180] =	vst v63  }
0x26: {  	s7 =	rddreg [dreg:$0x6]  }
0x27: {  	[tilespmem:s7], [sflag:$0x1] =	stream.indirect_vreg.gather [hbm4b:s1+s3], $0x80, v3, vm0, $0xb8;
	[tilespmem:$0x12180] =	vst v63  }
0x28: {  	v3 =	vld [tilespmem:$0x10];
	_ =	sdelay $0x4  }
0x29: {  	v47 =	vshll.u32 v3, $0x1  }
0x2a: {  	v3 =	vand.u32 $0x7, v3;
	v4 =	vand.u32 $0xFFFFFFF0, v47  }
0x2b: {  	v3 =	vor.u32 v3, v4  }
0x2c: {  	v4 =	vperm.xlane v3, v0;
	_ =	sdelay $0x1  }
0x2d: {  	v3 =	vperm.xlane v3, v2;
	v4 =	vadd.s32 v1, v4;
	_ =	sdelay $0x1  }
0x2e: {  	v3 =	vadd.s32 v1, v3;
	_ =	sdelay $0x1  }
0x2f: {  	s0 =	rddreg [dreg:$0x7]  }
0x30: {  	[tilespmem:s0], [sflag:$0x1] =	stream.indirect_vreg.gather [hbm4b:s1+s3], $0x80, v4, vm0, $0xb8;
	[tilespmem:$0x12180] =	vst v63  }
0x31: {  	s7 =	rddreg [dreg:$0x8]  }
0x32: {  	[tilespmem:s7], [sflag:$0x1] =	stream.indirect_vreg.gather [hbm4b:s1+s3], $0x80, v3, vm0, $0xb8;
	[tilespmem:$0x12180] =	vst v63  }
0x33: {  	v3 =	vld [tilespmem:$0x20];
	_ =	sdelay $0x4  }
0x34: {  	v48 =	vshll.u32 v3, $0x1  }
0x35: {  	v3 =	vand.u32 $0x7, v3;
	v4 =	vand.u32 $0xFFFFFFF0, v48  }
0x36: {  	v3 =	vor.u32 v3, v4  }
0x37: {  	v4 =	vperm.xlane v3, v0;
	_ =	sdelay $0x1  }
0x38: {  	v3 =	vperm.xlane v3, v2;
	v4 =	vadd.s32 v1, v4;
	_ =	sdelay $0x1  }
0x39: {  	v3 =	vadd.s32 v1, v3;
	_ =	sdelay $0x1  }
0x3a: {  	s0 =	rddreg [dreg:$0x9]  }
0x3b: {  	[tilespmem:s0], [sflag:$0x1] =	stream.indirect_vreg.gather [hbm4b:s1+s3], $0x80, v4, vm0, $0xb8;
	[tilespmem:$0x12180] =	vst v63  }
0x3c: {  	s7 =	rddreg [dreg:$0xa]  }
0x3d: {  	[tilespmem:s7], [sflag:$0x1] =	stream.indirect_vreg.gather [hbm4b:s1+s3], $0x80, v3, vm0, $0xb8;
	[tilespmem:$0x12180] =	vst v63  }
0x3e: {  	v3 =	vld [tilespmem:$0x30];
	_ =	sdelay $0x4  }
0x3f: {  	v49 =	vshll.u32 v3, $0x1  }
0x40: {  	v3 =	vand.u32 $0x7, v3;
	v4 =	vand.u32 $0xFFFFFFF0, v49  }
0x41: {  	v3 =	vor.u32 v3, v4  }
0x42: {  	v4 =	vperm.xlane v3, v0;
	_ =	sdelay $0x1  }
0x43: {  	v3 =	vperm.xlane v3, v2;
	v4 =	vadd.s32 v1, v4;
	_ =	sdelay $0x1  }
0x44: {  	v3 =	vadd.s32 v1, v3;
	_ =	sdelay $0x1  }
0x45: {  	s0 =	rddreg [dreg:$0xb]  }
0x46: {  	[tilespmem:s0], [sflag:$0x1] =	stream.indirect_vreg.gather [hbm4b:s1+s3], $0x80, v4, vm0, $0xb8;
	[tilespmem:$0x12180] =	vst v63  }
0x47: {  	s7 =	rddreg [dreg:$0xc]  }
0x48: {  	[tilespmem:s7], [sflag:$0x1] =	stream.indirect_vreg.gather [hbm4b:s1+s3], $0x80, v3, vm0, $0xb8;
	[tilespmem:$0x12180] =	vst v63  }
0x49: {  	v3 =	vld [tilespmem:$0x40];
	_ =	sdelay $0x4  }
0x4a: {  	v50 =	vshll.u32 v3, $0x1  }
0x4b: {  	v3 =	vand.u32 $0x7, v3;
	v4 =	vand.u32 $0xFFFFFFF0, v50  }
0x4c: {  	v3 =	vor.u32 v3, v4  }
0x4d: {  	v4 =	vperm.xlane v3, v0;
	_ =	sdelay $0x1  }
0x4e: {  	v3 =	vperm.xlane v3, v2;
	v4 =	vadd.s32 v1, v4;
	_ =	sdelay $0x1  }
0x4f: {  	v3 =	vadd.s32 v1, v3;
	_ =	sdelay $0x1  }
0x50: {  	s0 =	rddreg [dreg:$0xd]  }
0x51: {  	[tilespmem:s0], [sflag:$0x1] =	stream.indirect_vreg.gather [hbm4b:s1+s3], $0x80, v4, vm0, $0xb8;
	[tilespmem:$0x12180] =	vst v63  }
0x52: {  	s7 =	rddreg [dreg:$0xe]  }
0x53: {  	[tilespmem:s7], [sflag:$0x1] =	stream.indirect_vreg.gather [hbm4b:s1+s3], $0x80, v3, vm0, $0xb8;
	[tilespmem:$0x12180] =	vst v63  }
0x54: {  	v3 =	vld [tilespmem:$0x50];
	_ =	sdelay $0x4  }
0x55: {  	v51 =	vshll.u32 v3, $0x1  }
0x56: {  	v3 =	vand.u32 $0x7, v3;
	v4 =	vand.u32 $0xFFFFFFF0, v51  }
0x57: {  	v3 =	vor.u32 v3, v4  }
0x58: {  	v4 =	vperm.xlane v3, v0;
	_ =	sdelay $0x1  }
0x59: {  	v3 =	vperm.xlane v3, v2;
	v4 =	vadd.s32 v1, v4;
	_ =	sdelay $0x1  }
0x5a: {  	v3 =	vadd.s32 v1, v3;
	_ =	sdelay $0x1  }
0x5b: {  	s0 =	rddreg [dreg:$0xf]  }
0x5c: {  	[tilespmem:s0], [sflag:$0x1] =	stream.indirect_vreg.gather [hbm4b:s1+s3], $0x80, v4, vm0, $0xb8;
	[tilespmem:$0x12180] =	vst v63  }
0x5d: {  	s7 =	rddreg [dreg:$0x10]  }
0x5e: {  	[tilespmem:s7], [sflag:$0x1] =	stream.indirect_vreg.gather [hbm4b:s1+s3], $0x80, v3, vm0, $0xb8;
	[tilespmem:$0x12180] =	vst v63  }
0x5f: {  	v3 =	vld [tilespmem:$0x60];
	_ =	sdelay $0x4  }
0x60: {  	v52 =	vshll.u32 v3, $0x1  }
0x61: {  	v3 =	vand.u32 $0x7, v3;
	v4 =	vand.u32 $0xFFFFFFF0, v52  }
0x62: {  	v3 =	vor.u32 v3, v4  }
0x63: {  	v4 =	vperm.xlane v3, v0;
	_ =	sdelay $0x1  }
0x64: {  	v3 =	vperm.xlane v3, v2;
	v4 =	vadd.s32 v1, v4;
	_ =	sdelay $0x1  }
0x65: {  	v3 =	vadd.s32 v1, v3;
	_ =	sdelay $0x1  }
0x66: {  	s7 =	simm.s32 $0x6180  }
0x67: {  	[tilespmem:s7], [sflag:$0x1] =	stream.indirect_vreg.gather [hbm4b:s1+s3], $0x80, v4, vm0, $0xb8;
	[tilespmem:$0x12180] =	vst v63  }
0x68: {  	_ = 	snop  }
0x69: {  	[tilespmem:s8], [sflag:$0x1] =	stream.indirect_vreg.gather [hbm4b:s1+s3], $0x80, v3, vm0, $0xb8;
	[tilespmem:$0x12180] =	vst v63  }
0x6a: {  	v3 =	vld [tilespmem:$0x70];
	_ =	sdelay $0x4  }
0x6b: {  	v53 =	vshll.u32 v3, $0x1  }
0x6c: {  	v3 =	vand.u32 $0x7, v3;
	v4 =	vand.u32 $0xFFFFFFF0, v53  }
0x6d: {  	v3 =	vor.u32 v3, v4  }
0x6e: {  	v4 =	vperm.xlane v3, v0;
	_ =	sdelay $0x1  }
0x6f: {  	v3 =	vperm.xlane v3, v2;
	v4 =	vadd.s32 v1, v4;
	_ =	sdelay $0x1  }
0x70: {  	v3 =	vadd.s32 v1, v3;
	_ =	sdelay $0x2  }
0x71: {  	[tilespmem:s9], [sflag:$0x1] =	stream.indirect_vreg.gather [hbm4b:s1+s3], $0x80, v4, vm0, $0xb8;
	[tilespmem:$0x12180] =	vst v63  }
0x72: {  	_ = 	snop  }
0x73: {  	[tilespmem:s10], [sflag:$0x1] =	stream.indirect_vreg.gather [hbm4b:s1+s3], $0x80, v3, vm0, $0xb8;
	[tilespmem:$0x12180] =	vst v63  }
0x74: {  	v3 =	vld [tilespmem:$0x80];
	_ =	sdelay $0x4  }
0x75: {  	v54 =	vshll.u32 v3, $0x1  }
0x76: {  	v3 =	vand.u32 $0x7, v3;
	v4 =	vand.u32 $0xFFFFFFF0, v54  }
0x77: {  	v3 =	vor.u32 v3, v4  }
0x78: {  	v4 =	vperm.xlane v3, v0;
	_ =	sdelay $0x1  }
0x79: {  	v3 =	vperm.xlane v3, v2;
	v4 =	vadd.s32 v1, v4;
	_ =	sdelay $0x1  }
0x7a: {  	v3 =	vadd.s32 v1, v3;
	_ =	sdelay $0x2  }
0x7b: {  	[tilespmem:s11], [sflag:$0x1] =	stream.indirect_vreg.gather [hbm4b:s1+s3], $0x80, v4, vm0, $0xb8;
	[tilespmem:$0x12180] =	vst v63  }
0x7c: {  	_ = 	snop  }
0x7d: {  	[tilespmem:s12], [sflag:$0x1] =	stream.indirect_vreg.gather [hbm4b:s1+s3], $0x80, v3, vm0, $0xb8;
	[tilespmem:$0x12180] =	vst v63  }
0x7e: {  	v3 =	vld [tilespmem:$0x90];
	_ =	sdelay $0x4  }
0x7f: {  	v55 =	vshll.u32 v3, $0x1  }
0x80: {  	v3 =	vand.u32 $0x7, v3;
	v4 =	vand.u32 $0xFFFFFFF0, v55  }
0x81: {  	v3 =	vor.u32 v3, v4  }
0x82: {  	v4 =	vperm.xlane v3, v0;
	_ =	sdelay $0x1  }
0x83: {  	v3 =	vperm.xlane v3, v2;
	v4 =	vadd.s32 v1, v4;
	_ =	sdelay $0x1  }
0x84: {  	v3 =	vadd.s32 v1, v3;
	_ =	sdelay $0x2  }
0x85: {  	[tilespmem:s13], [sflag:$0x1] =	stream.indirect_vreg.gather [hbm4b:s1+s3], $0x80, v4, vm0, $0xb8;
	[tilespmem:$0x12180] =	vst v63  }
0x86: {  	_ = 	snop  }
0x87: {  	[tilespmem:s14], [sflag:$0x1] =	stream.indirect_vreg.gather [hbm4b:s1+s3], $0x80, v3, vm0, $0xb8;
	[tilespmem:$0x12180] =	vst v63  }
0x88: {  	v3 =	vld [tilespmem:$0xA0];
	_ =	sdelay $0x4  }
0x89: {  	v56 =	vshll.u32 v3, $0x1  }
0x8a: {  	v3 =	vand.u32 $0x7, v3;
	v4 =	vand.u32 $0xFFFFFFF0, v56  }
0x8b: {  	v3 =	vor.u32 v3, v4  }
0x8c: {  	v4 =	vperm.xlane v3, v0;
	_ =	sdelay $0x1  }
0x8d: {  	v3 =	vperm.xlane v3, v2;
	v4 =	vadd.s32 v1, v4;
	_ =	sdelay $0x1  }
0x8e: {  	v3 =	vadd.s32 v1, v3;
	_ =	sdelay $0x2  }
0x8f: {  	[tilespmem:s15], [sflag:$0x1] =	stream.indirect_vreg.gather [hbm4b:s1+s3], $0x80, v4, vm0, $0xb8;
	[tilespmem:$0x12180] =	vst v63  }
0x90: {  	_ = 	snop  }
0x91: {  	[tilespmem:s16], [sflag:$0x1] =	stream.indirect_vreg.gather [hbm4b:s1+s3], $0x80, v3, vm0, $0xb8;
	[tilespmem:$0x12180] =	vst v63  }
0x92: {  	v3 =	vld [tilespmem:$0xB0];
	_ =	sdelay $0x4  }
0x93: {  	v57 =	vshll.u32 v3, $0x1  }
0x94: {  	v3 =	vand.u32 $0x7, v3;
	v4 =	vand.u32 $0xFFFFFFF0, v57  }
0x95: {  	v3 =	vor.u32 v3, v4  }
0x96: {  	v4 =	vperm.xlane v3, v0;
	_ =	sdelay $0x1  }
0x97: {  	v3 =	vperm.xlane v3, v2;
	v4 =	vadd.s32 v1, v4;
	_ =	sdelay $0x1  }
0x98: {  	v3 =	vadd.s32 v1, v3;
	_ =	sdelay $0x2  }
0x99: {  	[tilespmem:s17], [sflag:$0x1] =	stream.indirect_vreg.gather [hbm4b:s1+s3], $0x80, v4, vm0, $0xb8;
	[tilespmem:$0x12180] =	vst v63  }
0x9a: {  	_ = 	snop  }
0x9b: {  	[tilespmem:s18], [sflag:$0x1] =	stream.indirect_vreg.gather [hbm4b:s1+s3], $0x80, v3, vm0, $0xb8;
	[tilespmem:$0x12180] =	vst v63  }
0x9c: {  	v3 =	vld [tilespmem:$0xC0];
	_ =	sdelay $0x4  }
0x9d: {  	v58 =	vshll.u32 v3, $0x1  }
0x9e: {  	v3 =	vand.u32 $0x7, v3;
	v4 =	vand.u32 $0xFFFFFFF0, v58  }
0x9f: {  	v3 =	vor.u32 v3, v4  }
0xa0: {  	v4 =	vperm.xlane v3, v0;
	_ =	sdelay $0x1  }
0xa1: {  	v3 =	vperm.xlane v3, v2;
	v4 =	vadd.s32 v1, v4;
	_ =	sdelay $0x1  }
0xa2: {  	v3 =	vadd.s32 v1, v3;
	_ =	sdelay $0x2  }
0xa3: {  	[tilespmem:s19], [sflag:$0x1] =	stream.indirect_vreg.gather [hbm4b:s1+s3], $0x80, v4, vm0, $0xb8;
	[tilespmem:$0x12180] =	vst v63  }
0xa4: {  	_ = 	snop  }
0xa5: {  	[tilespmem:s20], [sflag:$0x1] =	stream.indirect_vreg.gather [hbm4b:s1+s3], $0x80, v3, vm0, $0xb8;
	[tilespmem:$0x12180] =	vst v63  }
0xa6: {  	v3 =	vld [tilespmem:$0xD0];
	_ =	sdelay $0x4  }
0xa7: {  	v59 =	vshll.u32 v3, $0x1  }
0xa8: {  	v3 =	vand.u32 $0x7, v3;
	v4 =	vand.u32 $0xFFFFFFF0, v59  }
0xa9: {  	v3 =	vor.u32 v3, v4  }
0xaa: {  	v4 =	vperm.xlane v3, v0;
	_ =	sdelay $0x1  }
0xab: {  	v3 =	vperm.xlane v3, v2;
	v4 =	vadd.s32 v1, v4;
	_ =	sdelay $0x1  }
0xac: {  	v3 =	vadd.s32 v1, v3;
	_ =	sdelay $0x2  }
0xad: {  	[tilespmem:s21], [sflag:$0x1] =	stream.indirect_vreg.gather [hbm4b:s1+s3], $0x80, v4, vm0, $0xb8;
	[tilespmem:$0x12180] =	vst v63  }
0xae: {  	_ = 	snop  }
0xaf: {  	[tilespmem:s22], [sflag:$0x1] =	stream.indirect_vreg.gather [hbm4b:s1+s3], $0x80, v3, vm0, $0xb8;
	[tilespmem:$0x12180] =	vst v63  }
0xb0: {  	v3 =	vld [tilespmem:$0xE0];
	_ =	sdelay $0x4  }
0xb1: {  	v60 =	vshll.u32 v3, $0x1  }
0xb2: {  	v3 =	vand.u32 $0x7, v3;
	v4 =	vand.u32 $0xFFFFFFF0, v60  }
0xb3: {  	v3 =	vor.u32 v3, v4  }
0xb4: {  	v4 =	vperm.xlane v3, v0;
	_ =	sdelay $0x1  }
0xb5: {  	v3 =	vperm.xlane v3, v2;
	v4 =	vadd.s32 v1, v4;
	_ =	sdelay $0x1  }
0xb6: {  	v3 =	vadd.s32 v1, v3;
	_ =	sdelay $0x2  }
0xb7: {  	[tilespmem:s23], [sflag:$0x1] =	stream.indirect_vreg.gather [hbm4b:s1+s3], $0x80, v4, vm0, $0xb8;
	[tilespmem:$0x12180] =	vst v63  }
0xb8: {  	_ = 	snop  }
0xb9: {  	[tilespmem:s24], [sflag:$0x1] =	stream.indirect_vreg.gather [hbm4b:s1+s3], $0x80, v3, vm0, $0xb8;
	[tilespmem:$0x12180] =	vst v63  }
0xba: {  	v3 =	vld [tilespmem:$0xF0];
	_ =	sdelay $0x4  }
0xbb: {  	v61 =	vshll.u32 v3, $0x1  }
0xbc: {  	v3 =	vand.u32 $0x7, v3;
	v4 =	vand.u32 $0xFFFFFFF0, v61  }
0xbd: {  	v3 =	vor.u32 v3, v4  }
0xbe: {  	v4 =	vperm.xlane v3, v0;
	_ =	sdelay $0x1  }
0xbf: {  	v3 =	vperm.xlane v3, v2;
	v4 =	vadd.s32 v1, v4;
	_ =	sdelay $0x1  }
0xc0: {  	v3 =	vadd.s32 v1, v3;
	_ =	sdelay $0x2  }
0xc1: {  	[tilespmem:s25], [sflag:$0x1] =	stream.indirect_vreg.gather [hbm4b:s1+s3], $0x80, v4, vm0, $0xb8;
	[tilespmem:$0x12180] =	vst v63  }
0xc2: {  	_ = 	snop  }
0xc3: {  	[tilespmem:s26], [sflag:$0x1] =	stream.indirect_vreg.gather [hbm4b:s1+s3], $0x80, v3, vm0, $0xb8;
	[tilespmem:$0x12180] =	vst v63  }
0xc4: {  	v3 =	vld [tilespmem:$0x100];
	_ =	sdelay $0x4  }
0xc5: {  	v62 =	vshll.u32 v3, $0x1  }
0xc6: {  	v3 =	vand.u32 $0x7, v3;
	v4 =	vand.u32 $0xFFFFFFF0, v62  }
0xc7: {  	v3 =	vor.u32 v3, v4  }
0xc8: {  	v4 =	vperm.xlane v3, v0;
	_ =	sdelay $0x1  }
0xc9: {  	v3 =	vperm.xlane v3, v2;
	v4 =	vadd.s32 v1, v4;
	_ =	sdelay $0x1  }
0xca: {  	v3 =	vadd.s32 v1, v3;
	_ =	sdelay $0x2  }
0xcb: {  	[tilespmem:s28], [sflag:$0x1] =	stream.indirect_vreg.gather [hbm4b:s1+s3], $0x80, v4, vm0, $0xb8;
	[tilespmem:$0x12180] =	vst v63  }
0xcc: {  	_ = 	snop  }
0xcd: {  	[tilespmem:s29], [sflag:$0x1] =	stream.indirect_vreg.gather [hbm4b:s1+s3], $0x80, v3, vm0, $0xb8;
	[tilespmem:$0x12180] =	vst v63  }
0xce: {  	v3 =	vld [tilespmem:$0x110];
	_ =	sdelay $0x4  }
0xcf: {  	v63 =	vshll.u32 v3, $0x1  }
0xd0: {  	v3 =	vand.u32 $0x7, v3;
	v4 =	vand.u32 $0xFFFFFFF0, v63  }
0xd1: {  	v3 =	vor.u32 v3, v4  }
0xd2: {  	v4 =	vperm.xlane v3, v0;
	_ =	sdelay $0x1  }
0xd3: {  	v3 =	vperm.xlane v3, v2;
	v4 =	vadd.s32 v1, v4;
	_ =	sdelay $0x1  }
0xd4: {  	v3 =	vadd.s32 v1, v3;
	_ =	sdelay $0x2  }
0xd5: {  	[tilespmem:s30], [sflag:$0x1] =	stream.indirect_vreg.gather [hbm4b:s1+s3], $0x80, v4, vm0, $0xb8;
	[tilespmem:$0x12180] =	vst v63  }
0xd6: {  	_ = 	snop  }
0xd7: {  	[tilespmem:s31], [sflag:$0x1] =	stream.indirect_vreg.gather [hbm4b:s1+s3], $0x80, v3, vm0, $0xb8;
	[tilespmem:$0x12180] =	vst v63  }
0xd8: {  	_ =	swait.ge [sflag:s2], $0x12000  }
0xd9: {  	p0 =	sne.s32 s4, $0x1;
	[sflag:s2] =	ssyncset.done $0x0  }
.Ltmp0:
0xda: {  	s7 =	rddreg [dreg:$0x5];
	[sflag:s2] =	ssyncadd.s32 $0xFFFEE000;
	(pc) =	sbr.rel @p0 .LBB2_1-.Ltmp0, $4  }
0xdb: {  	[hbm4b:s7+s3] =	stream.linear.scatter [tilespmem:s6], [sflag:$0x2], $0x12000, $0x38;
	[tilespmem:$0x12180] =	vst v63  }
0xdc: {  	_ =	swait.ge [sflag:s5], $0x12000  }
0xdd: {  	[sflag:s5] =	ssyncset.done $0x0  }
0xde: {  	s4 =	sadd.s32 $0xFFFFFFFF, s4;
	[sflag:s5] =	ssyncadd.s32 $0xFFFEE000  }
0xdf: {  	_ =	sfence.sel $0x180000  }
0xe0: {  	[bflag:$0x0] =	sbarrier.arrive $0xFFFF  }
0xe1: {  	_ =	strace $0x90000047  }
0xe2: {  	s0 =	stileid.u32;
	[bflag:$0x2] =	sbarrier.arrive $0xFFFF  }
0xe3: {  	p0 =	sne.s32 s0, $0x0;
	s0 =	rddreg [dreg:$0x3]  }
0xe4: {  	s0 =	sadd.s32 @!p0 $0x100000, s0  }
0xe5: {  	[sflag:s0] =	ssyncadd.tile.s32 @!p0 $0x1;
	_ =	shalt  }
.Lfunc_end2:
_tile_overlayer_lowered:
.L_overlay_start_2:
0xe6: {  	(tag) =	ssettag $0x2  }
0xe7: {  	s0 =	rddreg [dreg:$0x0];
	s2 =	stileid.u32  }
0xe8: {  	s1 =	rddreg [dreg:$0x1];
	p0 =	sne.s32 s2, $0x0  }
0xe9: {  	s3 =	rddreg [dreg:$0x2];
	[bflag:$0x3] =	sbarrier.arrive $0xFFFF;
	s2 =	simm.s32 @!p0 $0x1C02  }
0xea: {  	[timem:s3], [sflag:s2] =	dma.local @!p0 [hbm:s0], s1  }
0xeb: {  	s0 =	simm.s32 @!p0 $0x2  }
0xec: {  	_ =	swait.ge @!p0 [sflag:s0], s1  }
0xed: {  	s1 =	ssub.s32 @!p0 $0x0, s1;
	[sflag:s0] =	ssyncset.done @!p0 $0x0  }
0xee: {  	[sflag:s0] =	ssyncadd.s32 @!p0 s1  }
0xef: {  	[bflag:$0x3] =	sbarrier.arrive $0xFFFF  }
0xf0: {  	_ =	shalt  }

</sc_bundles>
